<compile_context>
chip_gen: v7x
topology: tpu7x:2x2x1
jax: 0.10.2.dev20260603
libtpu: 0.0.44.dev20260713+nightly
codegen_flags: <defaults>
</compile_context>

<pallas_src>
import functools

import jax
import jax.numpy as jnp
from jax import lax
from jax.experimental import pallas as pl
from jax.experimental.pallas import tpu as pltpu
from jax.experimental.pallas import tpu_sc as plsc

BITS = 14
NB = 1 << BITS
N = 8 * 512 * 512
NW = 32
NP = N // NW
CH = 8192
NCHUNK = NP // CH
UNROLL = 4

_MIN32 = -2147483648


def _pack_body(pred_ref, lab_ref, out_ref):
    p = pred_ref[...]
    l = lab_ref[...]
    e = 1.0 - p * (2.0 * l.astype(jnp.float32) - 1.0)
    b = lax.bitcast_convert_type(e, jnp.int32)
    key = jnp.where(b < 0, ~b, b ^ jnp.int32(_MIN32))
    idx = lax.shift_right_logical(key, 32 - BITS)
    out_ref[...] = (idx | (l << BITS)).astype(jnp.uint16).reshape(out_ref.shape)


def _hist_body(word_hbm, out_hbm, word_v, hist_v):
    c = lax.axis_index("c")
    s = lax.axis_index("s")
    wid = s * 2 + c

    zero16 = jnp.zeros((16,), jnp.int32)

    def zbody(i, _):
        hist_v[pl.ds(i * 16, 16)] = zero16
        return _
    lax.fori_loop(0, NB // 16, zbody, None)

    m15 = jnp.int32(NB - 1)
    c16 = jnp.int32(65536)

    def chunk_body(ci, _):
        base = wid * NP + ci * CH
        pltpu.sync_copy(word_hbm.at[pl.ds(base, CH)], word_v)

        def grp_body(g, _):
            for u in range(UNROLL):
                o = g * (32 * UNROLL) + u * 32
                w = plsc.bitcast(word_v[pl.ds(o, 32)], jnp.int32)
                lo = w & jnp.int32(0xFFFF)
                hi = lax.shift_right_logical(w, 16)
                plsc.addupdate_scatter(
                    hist_v, [lo & m15],
                    c16 + lax.shift_right_logical(lo, BITS))
                plsc.addupdate_scatter(
                    hist_v, [hi & m15],
                    c16 + lax.shift_right_logical(hi, BITS))
            return _
        lax.fori_loop(0, CH // (32 * UNROLL), grp_body, None)
        return _
    lax.fori_loop(0, NCHUNK, chunk_body, None)

    pltpu.sync_copy(hist_v, out_hbm.at[wid])


_hist = functools.partial(
    pl.kernel,
    mesh=plsc.VectorSubcoreMesh(core_axis_name="c", subcore_axis_name="s"),
    compiler_params=pltpu.CompilerParams(needs_layout_passes=False),
    out_type=jax.ShapeDtypeStruct((NW, NB), jnp.int32),
    scratch_types=[
        pltpu.VMEM((CH,), jnp.uint16),
        pltpu.VMEM((NB,), jnp.int32),
    ],
)(_hist_body)

ROWS = NB // 128
PACK_GRID = 8


def _scan_body(hist_ref, out_ref):
    f = jnp.float32
    packed = jnp.sum(hist_ref[...], axis=0)
    ct = (packed >> 16).astype(f)
    cp = (packed & 0xFFFF).astype(f)

    row = lax.broadcasted_iota(jnp.int32, (ROWS, 128), 0)
    col = lax.broadcasted_iota(jnp.int32, (ROWS, 128), 1)
    rr = lax.broadcasted_iota(jnp.int32, (ROWS, ROWS), 0)
    cc = lax.broadcasted_iota(jnp.int32, (ROWS, ROWS), 1)
    ic_r = lax.broadcasted_iota(jnp.int32, (128, 128), 0)
    ic_c = lax.broadcasted_iota(jnp.int32, (128, 128), 1)
    l_incl = (ic_r <= ic_c).astype(f)
    l_strict = (cc < rr).astype(f)

    def excl_prefix(x):
        pin = jnp.dot(x, l_incl, preferred_element_type=f,
                      precision=lax.Precision.HIGHEST)
        rtot = jnp.sum(x, axis=1, keepdims=True)
        off = jnp.dot(l_strict, rtot, preferred_element_type=f,
                      precision=lax.Precision.HIGHEST)
        return off + pin - x

    tot = jnp.sum(ct)
    g = jnp.sum(cp)
    k_hi = tot - excl_prefix(ct)
    p_hi = g - excl_prefix(cp)
    k_lo = k_hi - ct
    p_lo = p_hi - cp

    def jac(k, p):
        j = 1.0 - (g - p) / (g + k - p + 1e-8)
        return jnp.where(k <= 0.0, 0.0, j)

    bidx = row * 128 + col
    fbits = ((bidx << (32 - BITS)) + (1 << (31 - BITS))) & 0x7FFFFFFF
    mid_e = lax.bitcast_convert_type(fbits, f)

    contrib = mid_e * (jac(k_hi, p_hi) - jac(k_lo, p_lo))
    mask = (ct > 0.0) & (bidx >= NB // 2)
    out_ref[...] = jnp.sum(jnp.where(mask, contrib, 0.0)).reshape(1, 1)


def kernel(pred, target):
    words = pl.pallas_call(
        _pack_body,
        out_shape=jax.ShapeDtypeStruct((N // 128, 128), jnp.uint16),
        grid=(PACK_GRID,),
        in_specs=[pl.BlockSpec((1, 512, 512), lambda i: (i, 0, 0))] * 2,
        out_specs=pl.BlockSpec((N // 128 // PACK_GRID, 128), lambda i: (i, 0)),
    )(pred, target)
    hist = _hist(words.reshape(-1)).reshape(NW, ROWS, 128)
    loss = pl.pallas_call(
        _scan_body,
        out_shape=jax.ShapeDtypeStruct((1, 1), jnp.float32),
        in_specs=[pl.BlockSpec((NW, ROWS, 128), lambda: (0, 0, 0))],
        out_specs=pl.BlockSpec((1, 1), lambda: (0, 0)),
    )(hist)
    return loss[0, 0]

# --- scband reference (transcript-rebuilt; emitter-appended) ---
"""Pipeline reference for scband-lovasz-hinge-loss-16329465659789 (READ-ONLY COPY).

The authoritative reference and input builder live on the scoring server;
editing this copy changes nothing except your own understanding.
"""

import jax, jax.numpy as jnp
import numpy as np


def setup_inputs(seed: int = 0) -> dict:
    key = jax.random.key(seed)
    k1, k2 = jax.random.split(key)
    pred = jax.random.normal(k1, (8, 512, 512), dtype=jnp.float32)
    target = jax.random.randint(k2, (8, 512, 512), 0, 2)
    return {"pred": pred, "target": target}


def _lovasz_grad(gt_sorted):
    p = gt_sorted.shape[0]
    gts = gt_sorted.sum()
    cs = jnp.cumsum(gt_sorted, axis=0)
    intersection = gts - cs
    union = gts + (jnp.arange(1, p + 1, dtype=gt_sorted.dtype) - cs)
    jaccard = 1.0 - intersection / (union + 1e-08)
    jaccard = jnp.concatenate([jaccard[:1], jaccard[1:] - jaccard[:-1]], axis=0)
    return jaccard


def reference(pred, target):
    logits = pred.reshape(-1)
    labels = target.reshape(-1).astype(jnp.float32)
    signs = 2.0 * labels - 1.0
    errors = 1.0 - logits * signs
    perm = jnp.argsort(-errors)
    errors_sorted = errors[perm]
    gt_sorted = labels[perm]
    grad = _lovasz_grad(gt_sorted)
    loss = jnp.dot(jax.nn.relu(errors_sorted), grad)
    return loss

if __name__ == "__main__":
    import jax
    _d = setup_inputs()
    print(jax.jit(kernel)(*tuple(_d.values())))

</pallas_src>

<mosaic_0001>
#map = affine_map<(d0, d1) -> (0)>
#map1 = affine_map<(d0, d1) -> (0, 0)>
module attributes {stable_mosaic.version = 14 : i64} {
  func.func @_hist_body(%arg0: i32, %arg1: i32, %arg2: memref<2097152xi16, #tpu.memory_space<hbm>>, %arg3: memref<32x16384xi32, #tpu.memory_space<hbm>>, %arg4: memref<8192xi16, #tpu.memory_space<vmem>>, %arg5: memref<16384xi32, #tpu.memory_space<vmem>>) attributes {dimension_semantics = [#tpu.dimension_semantics<core_parallel>, #tpu.dimension_semantics<subcore_parallel>], iteration_bounds = array<i64: 2, 16>, scalar_prefetch = 0 : i64, scratch_operands = 2 : i64, tpu.core_type = #tpu.core_type<sc_vector_subcore>, window_params = [{transform_indices = #map}, {transform_indices = #map1}]} {
    %mul3A = arith.constant 2 : i32
    %mul3A_0 = arith.muli %arg1, %mul3A : i32
    %add3A = arith.addi %mul3A_0, %arg0 : i32
    %broadcast_in_dim3A = arith.constant 0 : i32
    %broadcast_in_dim3A_1 = vector.broadcast %broadcast_in_dim3A : i32 to vector<16xi32>
    %scan3A = arith.constant 0 : i32
    %scan3A_2 = arith.constant 1024 : i32
    %scan3A_3 = arith.addi %scan3A, %scan3A_2 : i32
    %scan3A_4 = arith.constant 1 : i32
    scf.for %scan3A_13 = %scan3A to %scan3A_3 step %scan3A_4  : i32 {
      %mul3A_14 = arith.constant 16 : i32
      %mul3A_15 = arith.muli %scan3A_13, %mul3A_14 : i32
      %swap3A = arith.index_cast %mul3A_15 : i32 to index
      %swap3A_16 = tpu.vector_load %arg5[%swap3A] {strides = array<i32>} : memref<16384xi32, #tpu.memory_space<vmem>>, vector<16xi32>,
      tpu.vector_store %arg5[%swap3A], %broadcast_in_dim3A_1 {strides = array<i32>} : memref<16384xi32, #tpu.memory_space<vmem>>, vector<16xi32>,
    }
    %scan3A_5 = arith.constant 1024 : i32
    %scan3A_6 = arith.constant 16383 : i32
    %scan3A_7 = arith.constant 65536 : i32
    %scan3A_8 = arith.constant 0 : i32
    %scan3A_9 = arith.constant 8 : i32
    %scan3A_10 = arith.addi %scan3A_8, %scan3A_9 : i32
    %scan3A_11 = arith.constant 1 : i32
    scf.for %scan3A_13 = %scan3A_8 to %scan3A_10 step %scan3A_11  : i32 {
      %mul3A_14 = arith.constant 65536 : i32
      %mul3A_15 = arith.muli %add3A, %mul3A_14 : i32
      %mul3A_16 = arith.constant 8192 : i32
      %mul3A_17 = arith.muli %scan3A_13, %mul3A_16 : i32
      %add3A_18 = arith.addi %mul3A_15, %mul3A_17 : i32
      "tpu.region"() ({
        %run_scoped3A = tpu.sem_alloc : memref<!tpu.dma_semaphore, #tpu.memory_space<semaphore_mem>>
        %dma_start3A = tpu.memref_slice %arg2[%add3A_18] : memref<2097152xi16, #tpu.memory_space<hbm>> -> memref<8192xi16, #tpu.memory_space<hbm>>
        %dma_start3A_24 = tpu.memref_slice %arg2[%add3A_18] : memref<2097152xi16, #tpu.memory_space<hbm>> -> memref<8192xi16, #tpu.memory_space<hbm>>
        tpu.enqueue_dma source(%dma_start3A_24 : memref<8192xi16, #tpu.memory_space<hbm>>) target(%arg4 : memref<8192xi16, #tpu.memory_space<vmem>>) target_semaphore(%run_scoped3A : memref<!tpu.dma_semaphore, #tpu.memory_space<semaphore_mem>>)
        %dma_wait3A = tpu.memref_slice %arg2[%add3A_18] : memref<2097152xi16, #tpu.memory_space<hbm>> -> memref<8192xi16, #tpu.memory_space<hbm>>
        %dma_wait3A_25 = tpu.memref_slice %arg2[%add3A_18] : memref<2097152xi16, #tpu.memory_space<hbm>> -> memref<8192xi16, #tpu.memory_space<hbm>>
        tpu.wait_dma2 semaphore(%run_scoped3A : memref<!tpu.dma_semaphore, #tpu.memory_space<semaphore_mem>>) src(%dma_wait3A_25 : memref<8192xi16, #tpu.memory_space<hbm>>) dst(%arg4 : memref<8192xi16, #tpu.memory_space<vmem>>)
        tpu.yield
      }) : () -> ()
      %scan3A_19 = arith.constant 0 : i32
      %scan3A_20 = arith.constant 64 : i32
      %scan3A_21 = arith.addi %scan3A_19, %scan3A_20 : i32
      %scan3A_22 = arith.constant 1 : i32
      scf.for %scan3A_24 = %scan3A_19 to %scan3A_21 step %scan3A_22  : i32 {
        %mul3A_25 = arith.constant 128 : i32
        %mul3A_26 = arith.muli %scan3A_24, %mul3A_25 : i32
        %add3A_27 = arith.constant 0 : i32
        %add3A_28 = arith.addi %mul3A_26, %add3A_27 : i32
        %get3A = arith.index_cast %add3A_28 : i32 to index
        %get3A_29 = tpu.vector_load %arg4[%get3A] {strides = array<i32>} : memref<8192xi16, #tpu.memory_space<vmem>>, vector<32xi16>,
        %bitcast3A = vector.bitcast %get3A_29 : vector<32xi16> to vector<16xi32>
        %and3A = arith.constant 65535 : i32
        %and3A_30 = vector.broadcast %and3A : i32 to vector<16xi32>
        %and3A_31 = arith.andi %bitcast3A, %and3A_30 : vector<16xi32>
        %shift_right_logical3A = arith.constant 16 : i32
        %shift_right_logical3A_32 = vector.broadcast %shift_right_logical3A : i32 to vector<16xi32>
        %shift_right_logical3A_33 = arith.shrui %bitcast3A, %shift_right_logical3A_32 : vector<16xi32>
        %and3A_34 = vector.broadcast %scan3A_6 : i32 to vector<16xi32>
        %and3A_35 = arith.andi %and3A_31, %and3A_34 : vector<16xi32>
        %shift_right_logical3A_36 = arith.constant 14 : i32
        %shift_right_logical3A_37 = vector.broadcast %shift_right_logical3A_36 : i32 to vector<16xi32>
        %shift_right_logical3A_38 = arith.shrui %and3A_31, %shift_right_logical3A_37 : vector<16xi32>
        %add3A_39 = vector.broadcast %scan3A_7 : i32 to vector<16xi32>
        %add3A_40 = arith.addi %add3A_39, %shift_right_logical3A_38 : vector<16xi32>
        tpu.vector_store_idx %arg5[%and3A_35], %add3A_40 {add = true} : memref<16384xi32, #tpu.memory_space<vmem>>[vector<16xi32>], vector<16xi32>,
        %and3A_41 = vector.broadcast %scan3A_6 : i32 to vector<16xi32>
        %and3A_42 = arith.andi %shift_right_logical3A_33, %and3A_41 : vector<16xi32>
        %shift_right_logical3A_43 = arith.constant 14 : i32
        %shift_right_logical3A_44 = vector.broadcast %shift_right_logical3A_43 : i32 to vector<16xi32>
        %shift_right_logical3A_45 = arith.shrui %shift_right_logical3A_33, %shift_right_logical3A_44 : vector<16xi32>
        %add3A_46 = vector.broadcast %scan3A_7 : i32 to vector<16xi32>
        %add3A_47 = arith.addi %add3A_46, %shift_right_logical3A_45 : vector<16xi32>
        tpu.vector_store_idx %arg5[%and3A_42], %add3A_47 {add = true} : memref<16384xi32, #tpu.memory_space<vmem>>[vector<16xi32>], vector<16xi32>,
        %mul3A_48 = arith.constant 128 : i32
        %mul3A_49 = arith.muli %scan3A_24, %mul3A_48 : i32
        %add3A_50 = arith.constant 32 : i32
        %add3A_51 = arith.addi %mul3A_49, %add3A_50 : i32
        %get3A_52 = arith.index_cast %add3A_51 : i32 to index
        %get3A_53 = tpu.vector_load %arg4[%get3A_52] {strides = array<i32>} : memref<8192xi16, #tpu.memory_space<vmem>>, vector<32xi16>,
        %bitcast3A_54 = vector.bitcast %get3A_53 : vector<32xi16> to vector<16xi32>
        %and3A_55 = arith.constant 65535 : i32
        %and3A_56 = vector.broadcast %and3A_55 : i32 to vector<16xi32>
        %and3A_57 = arith.andi %bitcast3A_54, %and3A_56 : vector<16xi32>
        %shift_right_logical3A_58 = arith.constant 16 : i32
        %shift_right_logical3A_59 = vector.broadcast %shift_right_logical3A_58 : i32 to vector<16xi32>
        %shift_right_logical3A_60 = arith.shrui %bitcast3A_54, %shift_right_logical3A_59 : vector<16xi32>
        %and3A_61 = vector.broadcast %scan3A_6 : i32 to vector<16xi32>
        %and3A_62 = arith.andi %and3A_57, %and3A_61 : vector<16xi32>
        %shift_right_logical3A_63 = arith.constant 14 : i32
        %shift_right_logical3A_64 = vector.broadcast %shift_right_logical3A_63 : i32 to vector<16xi32>
        %shift_right_logical3A_65 = arith.shrui %and3A_57, %shift_right_logical3A_64 : vector<16xi32>
        %add3A_66 = vector.broadcast %scan3A_7 : i32 to vector<16xi32>
        %add3A_67 = arith.addi %add3A_66, %shift_right_logical3A_65 : vector<16xi32>
        tpu.vector_store_idx %arg5[%and3A_62], %add3A_67 {add = true} : memref<16384xi32, #tpu.memory_space<vmem>>[vector<16xi32>], vector<16xi32>,
        %and3A_68 = vector.broadcast %scan3A_6 : i32 to vector<16xi32>
        %and3A_69 = arith.andi %shift_right_logical3A_60, %and3A_68 : vector<16xi32>
        %shift_right_logical3A_70 = arith.constant 14 : i32
        %shift_right_logical3A_71 = vector.broadcast %shift_right_logical3A_70 : i32 to vector<16xi32>
        %shift_right_logical3A_72 = arith.shrui %shift_right_logical3A_60, %shift_right_logical3A_71 : vector<16xi32>
        %add3A_73 = vector.broadcast %scan3A_7 : i32 to vector<16xi32>
        %add3A_74 = arith.addi %add3A_73, %shift_right_logical3A_72 : vector<16xi32>
        tpu.vector_store_idx %arg5[%and3A_69], %add3A_74 {add = true} : memref<16384xi32, #tpu.memory_space<vmem>>[vector<16xi32>], vector<16xi32>,
        %mul3A_75 = arith.constant 128 : i32
        %mul3A_76 = arith.muli %scan3A_24, %mul3A_75 : i32
        %add3A_77 = arith.constant 64 : i32
        %add3A_78 = arith.addi %mul3A_76, %add3A_77 : i32
        %get3A_79 = arith.index_cast %add3A_78 : i32 to index
        %get3A_80 = tpu.vector_load %arg4[%get3A_79] {strides = array<i32>} : memref<8192xi16, #tpu.memory_space<vmem>>, vector<32xi16>,
        %bitcast3A_81 = vector.bitcast %get3A_80 : vector<32xi16> to vector<16xi32>
        %and3A_82 = arith.constant 65535 : i32
        %and3A_83 = vector.broadcast %and3A_82 : i32 to vector<16xi32>
        %and3A_84 = arith.andi %bitcast3A_81, %and3A_83 : vector<16xi32>
        %shift_right_logical3A_85 = arith.constant 16 : i32
        %shift_right_logical3A_86 = vector.broadcast %shift_right_logical3A_85 : i32 to vector<16xi32>
        %shift_right_logical3A_87 = arith.shrui %bitcast3A_81, %shift_right_logical3A_86 : vector<16xi32>
        %and3A_88 = vector.broadcast %scan3A_6 : i32 to vector<16xi32>
        %and3A_89 = arith.andi %and3A_84, %and3A_88 : vector<16xi32>
        %shift_right_logical3A_90 = arith.constant 14 : i32
        %shift_right_logical3A_91 = vector.broadcast %shift_right_logical3A_90 : i32 to vector<16xi32>
        %shift_right_logical3A_92 = arith.shrui %and3A_84, %shift_right_logical3A_91 : vector<16xi32>
        %add3A_93 = vector.broadcast %scan3A_7 : i32 to vector<16xi32>
        %add3A_94 = arith.addi %add3A_93, %shift_right_logical3A_92 : vector<16xi32>
        tpu.vector_store_idx %arg5[%and3A_89], %add3A_94 {add = true} : memref<16384xi32, #tpu.memory_space<vmem>>[vector<16xi32>], vector<16xi32>,
        %and3A_95 = vector.broadcast %scan3A_6 : i32 to vector<16xi32>
        %and3A_96 = arith.andi %shift_right_logical3A_87, %and3A_95 : vector<16xi32>
        %shift_right_logical3A_97 = arith.constant 14 : i32
        %shift_right_logical3A_98 = vector.broadcast %shift_right_logical3A_97 : i32 to vector<16xi32>
        %shift_right_logical3A_99 = arith.shrui %shift_right_logical3A_87, %shift_right_logical3A_98 : vector<16xi32>
        %add3A_100 = vector.broadcast %scan3A_7 : i32 to vector<16xi32>
        %add3A_101 = arith.addi %add3A_100, %shift_right_logical3A_99 : vector<16xi32>
        tpu.vector_store_idx %arg5[%and3A_96], %add3A_101 {add = true} : memref<16384xi32, #tpu.memory_space<vmem>>[vector<16xi32>], vector<16xi32>,
        %mul3A_102 = arith.constant 128 : i32
        %mul3A_103 = arith.muli %scan3A_24, %mul3A_102 : i32
        %add3A_104 = arith.constant 96 : i32
        %add3A_105 = arith.addi %mul3A_103, %add3A_104 : i32
        %get3A_106 = arith.index_cast %add3A_105 : i32 to index
        %get3A_107 = tpu.vector_load %arg4[%get3A_106] {strides = array<i32>} : memref<8192xi16, #tpu.memory_space<vmem>>, vector<32xi16>,
        %bitcast3A_108 = vector.bitcast %get3A_107 : vector<32xi16> to vector<16xi32>
        %and3A_109 = arith.constant 65535 : i32
        %and3A_110 = vector.broadcast %and3A_109 : i32 to vector<16xi32>
        %and3A_111 = arith.andi %bitcast3A_108, %and3A_110 : vector<16xi32>
        %shift_right_logical3A_112 = arith.constant 16 : i32
        %shift_right_logical3A_113 = vector.broadcast %shift_right_logical3A_112 : i32 to vector<16xi32>
        %shift_right_logical3A_114 = arith.shrui %bitcast3A_108, %shift_right_logical3A_113 : vector<16xi32>
        %and3A_115 = vector.broadcast %scan3A_6 : i32 to vector<16xi32>
        %and3A_116 = arith.andi %and3A_111, %and3A_115 : vector<16xi32>
        %shift_right_logical3A_117 = arith.constant 14 : i32
        %shift_right_logical3A_118 = vector.broadcast %shift_right_logical3A_117 : i32 to vector<16xi32>
        %shift_right_logical3A_119 = arith.shrui %and3A_111, %shift_right_logical3A_118 : vector<16xi32>
        %add3A_120 = vector.broadcast %scan3A_7 : i32 to vector<16xi32>
        %add3A_121 = arith.addi %add3A_120, %shift_right_logical3A_119 : vector<16xi32>
        tpu.vector_store_idx %arg5[%and3A_116], %add3A_121 {add = true} : memref<16384xi32, #tpu.memory_space<vmem>>[vector<16xi32>], vector<16xi32>,
        %and3A_122 = vector.broadcast %scan3A_6 : i32 to vector<16xi32>
        %and3A_123 = arith.andi %shift_right_logical3A_114, %and3A_122 : vector<16xi32>
        %shift_right_logical3A_124 = arith.constant 14 : i32
        %shift_right_logical3A_125 = vector.broadcast %shift_right_logical3A_124 : i32 to vector<16xi32>
        %shift_right_logical3A_126 = arith.shrui %shift_right_logical3A_114, %shift_right_logical3A_125 : vector<16xi32>
        %add3A_127 = vector.broadcast %scan3A_7 : i32 to vector<16xi32>
        %add3A_128 = arith.addi %add3A_127, %shift_right_logical3A_126 : vector<16xi32>
        tpu.vector_store_idx %arg5[%and3A_123], %add3A_128 {add = true} : memref<16384xi32, #tpu.memory_space<vmem>>[vector<16xi32>], vector<16xi32>,
      }
      %scan3A_23 = arith.constant 64 : i32
    }
    %scan3A_12 = arith.constant 8 : i32
    "tpu.region"() ({
      %run_scoped3A = tpu.sem_alloc : memref<!tpu.dma_semaphore, #tpu.memory_space<semaphore_mem>>
      %dma_start3A = arith.constant 0 : i32
      %dma_start3A_13 = tpu.memref_slice %arg3[%add3A, %dma_start3A] : memref<32x16384xi32, #tpu.memory_space<hbm>> -> memref<1x16384xi32, #tpu.memory_space<hbm>>
      %dma_start3A_14 = tpu.memref_squeeze %dma_start3A_13 : memref<1x16384xi32, #tpu.memory_space<hbm>> -> memref<16384xi32, #tpu.memory_space<hbm>>
      %dma_start3A_15 = arith.constant 0 : i32
      %dma_start3A_16 = tpu.memref_slice %arg3[%add3A, %dma_start3A_15] : memref<32x16384xi32, #tpu.memory_space<hbm>> -> memref<1x16384xi32, #tpu.memory_space<hbm>>
      %dma_start3A_17 = tpu.memref_squeeze %dma_start3A_16 : memref<1x16384xi32, #tpu.memory_space<hbm>> -> memref<16384xi32, #tpu.memory_space<hbm>>
      tpu.enqueue_dma source(%arg5 : memref<16384xi32, #tpu.memory_space<vmem>>) target(%dma_start3A_17 : memref<16384xi32, #tpu.memory_space<hbm>>) target_semaphore(%run_scoped3A : memref<!tpu.dma_semaphore, #tpu.memory_space<semaphore_mem>>)
      %dma_wait3A = arith.constant 0 : i32
      %dma_wait3A_18 = tpu.memref_slice %arg3[%add3A, %dma_wait3A] : memref<32x16384xi32, #tpu.memory_space<hbm>> -> memref<1x16384xi32, #tpu.memory_space<hbm>>
      %dma_wait3A_19 = tpu.memref_squeeze %dma_wait3A_18 : memref<1x16384xi32, #tpu.memory_space<hbm>> -> memref<16384xi32, #tpu.memory_space<hbm>>
      %dma_wait3A_20 = arith.constant 0 : i32
      %dma_wait3A_21 = tpu.memref_slice %arg3[%add3A, %dma_wait3A_20] : memref<32x16384xi32, #tpu.memory_space<hbm>> -> memref<1x16384xi32, #tpu.memory_space<hbm>>
      %dma_wait3A_22 = tpu.memref_squeeze %dma_wait3A_21 : memref<1x16384xi32, #tpu.memory_space<hbm>> -> memref<16384xi32, #tpu.memory_space<hbm>>
      tpu.wait_dma2 semaphore(%run_scoped3A : memref<!tpu.dma_semaphore, #tpu.memory_space<semaphore_mem>>) src(%arg5 : memref<16384xi32, #tpu.memory_space<vmem>>) dst(%dma_wait3A_22 : memref<16384xi32, #tpu.memory_space<hbm>>)
      tpu.yield
    }) : () -> ()
    return
  }
}

module attributes {stable_mosaic.version = 14 : i64} {
  func.func @_pack_body(%arg0: i32, %arg1: memref<1x512x512xf32, #tpu.memory_space<vmem>>, %arg2: memref<1x512x512xi32, #tpu.memory_space<vmem>>, %arg3: memref<2048x128xi16, #tpu.memory_space<vmem>>) attributes {dimension_semantics = [#tpu.dimension_semantics<arbitrary>], iteration_bounds = array<i64: 8>, scalar_prefetch = 0 : i64, scratch_operands = 0 : i64, tpu.core_type = #tpu.core_type<tc>, window_params = [{transform_indices = @transform_0, window_bounds = array<i64: 1, 512, 512>}, {transform_indices = @transform_1, window_bounds = array<i64: 1, 512, 512>}, {transform_indices = @transform_2, window_bounds = array<i64: 2048, 128>}]} {
    %get3A = arith.constant 0 : index
    %get3A_0 = arith.constant 0 : index
    %get3A_1 = arith.constant 0 : index
    %get3A_2 = vector.load %arg1[%get3A, %get3A_0, %get3A_1] : memref<1x512x512xf32, #tpu.memory_space<vmem>>, vector<1x512x512xf32>
    %get3A_3 = arith.constant 0 : index
    %get3A_4 = arith.constant 0 : index
    %get3A_5 = arith.constant 0 : index
    %get3A_6 = vector.load %arg2[%get3A_3, %get3A_4, %get3A_5] : memref<1x512x512xi32, #tpu.memory_space<vmem>>, vector<1x512x512xi32>
    %convert_element_type3A = arith.sitofp %get3A_6 : vector<1x512x512xi32> to vector<1x512x512xf32>
    %mul3A = arith.constant 2.000000e+00 : f32
    %mul3A_7 = vector.broadcast %mul3A : f32 to vector<1x512x512xf32>
    %mul3A_8 = arith.mulf %mul3A_7, %convert_element_type3A : vector<1x512x512xf32>
    %sub3A = arith.constant 1.000000e+00 : f32
    %sub3A_9 = vector.broadcast %sub3A : f32 to vector<1x512x512xf32>
    %sub3A_10 = arith.subf %mul3A_8, %sub3A_9 : vector<1x512x512xf32>
    %mul3A_11 = arith.mulf %get3A_2, %sub3A_10 : vector<1x512x512xf32>
    %sub3A_12 = arith.constant 1.000000e+00 : f32
    %sub3A_13 = vector.broadcast %sub3A_12 : f32 to vector<1x512x512xf32>
    %sub3A_14 = arith.subf %sub3A_13, %mul3A_11 : vector<1x512x512xf32>
    %bitcast_convert_type3A = tpu.bitcast %sub3A_14 : vector<1x512x512xf32> -> vector<1x512x512xi32>
    %lt3A = arith.constant 0 : i32
    %lt3A_15 = vector.broadcast %lt3A : i32 to vector<1x512x512xi32>
    %lt3A_16 = arith.cmpi slt, %bitcast_convert_type3A, %lt3A_15 : vector<1x512x512xi32>
    %not3A = arith.constant dense<-1> : vector<1x512x512xi32>
    %not3A_17 = arith.xori %bitcast_convert_type3A, %not3A : vector<1x512x512xi32>
    %xor3A = arith.constant -2147483648 : i32
    %xor3A_18 = vector.broadcast %xor3A : i32 to vector<1x512x512xi32>
    %xor3A_19 = arith.xori %bitcast_convert_type3A, %xor3A_18 : vector<1x512x512xi32>
    %select_n3A = arith.select %lt3A_16, %not3A_17, %xor3A_19 : vector<1x512x512xi1>, vector<1x512x512xi32>
    %shift_right_logical3A = arith.constant 18 : i32
    %shift_right_logical3A_20 = vector.broadcast %shift_right_logical3A : i32 to vector<1x512x512xi32>
    %shift_right_logical3A_21 = arith.shrui %select_n3A, %shift_right_logical3A_20 : vector<1x512x512xi32>
    %shift_left3A = arith.constant 14 : i32
    %shift_left3A_22 = vector.broadcast %shift_left3A : i32 to vector<1x512x512xi32>
    %shift_left3A_23 = arith.shli %get3A_6, %shift_left3A_22 : vector<1x512x512xi32>
    %or3A = arith.ori %shift_right_logical3A_21, %shift_left3A_23 : vector<1x512x512xi32>
    %convert_element_type3A_24 = arith.trunci %or3A : vector<1x512x512xi32> to vector<1x512x512xi16>
    %reshape3A = vector.shape_cast %convert_element_type3A_24 : vector<1x512x512xi16> to vector<2048x128xi16>
    %swap3A = arith.constant 0 : index
    %swap3A_25 = arith.constant 0 : index
    %swap3A_26 = vector.load %arg3[%swap3A, %swap3A_25] : memref<2048x128xi16, #tpu.memory_space<vmem>>, vector<2048x128xi16>
    tpu.vector_store %arg3[%swap3A, %swap3A_25], %reshape3A {strides = array<i32>} : memref<2048x128xi16, #tpu.memory_space<vmem>>, vector<2048x128xi16>,
    return
  }
  func.func @transform_0(%arg0: i32) -> (i32, i32, i32) {
    %c0_i32 = arith.constant 0 : i32
    %c0_i32_0 = arith.constant 0 : i32
    %c0_i32_1 = arith.constant 0 : i32
    return %arg0, %c0_i32, %c0_i32_0 : i32, i32, i32
  }
  func.func @transform_1(%arg0: i32) -> (i32, i32, i32) {
    %c0_i32 = arith.constant 0 : i32
    %c0_i32_0 = arith.constant 0 : i32
    %c0_i32_1 = arith.constant 0 : i32
    return %arg0, %c0_i32, %c0_i32_0 : i32, i32, i32
  }
  func.func @transform_2(%arg0: i32) -> (i32, i32) {
    %c0_i32 = arith.constant 0 : i32
    %c0_i32_0 = arith.constant 0 : i32
    return %arg0, %c0_i32 : i32, i32
  }
}

module attributes {stable_mosaic.version = 14 : i64} {
  func.func @_scan_body(%arg0: memref<32x128x128xi32, #tpu.memory_space<vmem>>, %arg1: memref<1x1xf32, #tpu.memory_space<vmem>>) attributes {dimension_semantics = [], scalar_prefetch = 0 : i64, scratch_operands = 0 : i64, tpu.core_type = #tpu.core_type<tc>} {
    %get3A = arith.constant 0 : index
    %get3A_0 = arith.constant 0 : index
    %get3A_1 = arith.constant 0 : index
    %get3A_2 = vector.load %arg0[%get3A, %get3A_0, %get3A_1] : memref<32x128x128xi32, #tpu.memory_space<vmem>>, vector<32x128x128xi32>
    %reduce_sum3A = arith.constant dense<0> : vector<128x128xi32>
    %reduce_sum3A_3 = vector.multi_reduction <add>, %get3A_2, %reduce_sum3A [0] : vector<32x128x128xi32> to vector<128x128xi32>
    %shift_right_arithmetic3A = arith.constant 16 : i32
    %shift_right_arithmetic3A_4 = vector.broadcast %shift_right_arithmetic3A : i32 to vector<128x128xi32>
    %shift_right_arithmetic3A_5 = arith.shrsi %reduce_sum3A_3, %shift_right_arithmetic3A_4 : vector<128x128xi32>
    %convert_element_type3A = arith.sitofp %shift_right_arithmetic3A_5 : vector<128x128xi32> to vector<128x128xf32>
    %and3A = arith.constant 65535 : i32
    %and3A_6 = vector.broadcast %and3A : i32 to vector<128x128xi32>
    %and3A_7 = arith.andi %reduce_sum3A_3, %and3A_6 : vector<128x128xi32>
    %convert_element_type3A_8 = arith.sitofp %and3A_7 : vector<128x128xi32> to vector<128x128xf32>
    %iota3A = tpu.iota {dimensions = array<i32: 0>} : vector<128x128xi32>
    %iota3A_9 = tpu.iota {dimensions = array<i32: 1>} : vector<128x128xi32>
    %iota3A_10 = tpu.iota {dimensions = array<i32: 0>} : vector<128x128xi32>
    %iota3A_11 = tpu.iota {dimensions = array<i32: 1>} : vector<128x128xi32>
    %iota3A_12 = tpu.iota {dimensions = array<i32: 0>} : vector<128x128xi32>
    %iota3A_13 = tpu.iota {dimensions = array<i32: 1>} : vector<128x128xi32>
    %le3A = arith.cmpi sle, %iota3A_12, %iota3A_13 : vector<128x128xi32>
    %convert_element_type3A_14 = arith.extui %le3A : vector<128x128xi1> to vector<128x128xi32>
    %convert_element_type3A_15 = arith.sitofp %convert_element_type3A_14 : vector<128x128xi32> to vector<128x128xf32>
    %lt3A = arith.cmpi slt, %iota3A_11, %iota3A_10 : vector<128x128xi32>
    %convert_element_type3A_16 = arith.extui %lt3A : vector<128x128xi1> to vector<128x128xi32>
    %convert_element_type3A_17 = arith.sitofp %convert_element_type3A_16 : vector<128x128xi32> to vector<128x128xf32>
    %reduce_sum3A_18 = vector.shape_cast %convert_element_type3A : vector<128x128xf32> to vector<1x128x128xf32>
    %reduce_sum3A_19 = arith.constant dense<0.000000e+00> : vector<1xf32>
    %reduce_sum3A_20 = vector.multi_reduction <add>, %reduce_sum3A_18, %reduce_sum3A_19 [1, 2] : vector<1x128x128xf32> to vector<1xf32>
    %reduce_sum3A_21 = vector.shape_cast %reduce_sum3A_20 : vector<1xf32> to vector<1x1x1xf32>
    %reduce_sum3A_22 = vector.extract %reduce_sum3A_21[0, 0, 0] : f32 from vector<1x1x1xf32>
    %reduce_sum3A_23 = vector.shape_cast %convert_element_type3A_8 : vector<128x128xf32> to vector<1x128x128xf32>
    %reduce_sum3A_24 = arith.constant dense<0.000000e+00> : vector<1xf32>
    %reduce_sum3A_25 = vector.multi_reduction <add>, %reduce_sum3A_23, %reduce_sum3A_24 [1, 2] : vector<1x128x128xf32> to vector<1xf32>
    %reduce_sum3A_26 = vector.shape_cast %reduce_sum3A_25 : vector<1xf32> to vector<1x1x1xf32>
    %reduce_sum3A_27 = vector.extract %reduce_sum3A_26[0, 0, 0] : f32 from vector<1x1x1xf32>
    %dot_general3A = arith.constant dense<0.000000e+00> : vector<128x128xf32>
    %dot_general3A_28 = tpu.matmul %convert_element_type3A, %convert_element_type3A_15, %dot_general3A {dimension_numbers = #tpu.dot_dimension_numbers<[1], [0], [0], [1], [0, 0, 1, 1], [], []>, precision = #tpu.contract_precision<fp32>, transpose_lhs_hint = false} : vector<128x128xf32>, vector<128x128xf32>, vector<128x128xf32> -> vector<128x128xf32>
    %reduce_sum3A_29 = arith.constant dense<0.000000e+00> : vector<128xf32>
    %reduce_sum3A_30 = vector.multi_reduction <add>, %convert_element_type3A, %reduce_sum3A_29 [1] : vector<128x128xf32> to vector<128xf32>
    %broadcast_in_dim3A = vector.shape_cast %reduce_sum3A_30 : vector<128xf32> to vector<128x1xf32>
    %dot_general3A_31 = arith.constant dense<0.000000e+00> : vector<128x1xf32>
    %dot_general3A_32 = tpu.matmul %convert_element_type3A_17, %broadcast_in_dim3A, %dot_general3A_31 {dimension_numbers = #tpu.dot_dimension_numbers<[1], [0], [0], [1], [0, 0, 1, 1], [], []>, precision = #tpu.contract_precision<fp32>, transpose_lhs_hint = false} : vector<128x128xf32>, vector<128x1xf32>, vector<128x1xf32> -> vector<128x1xf32>
    %add3A = vector.broadcast %dot_general3A_32 : vector<128x1xf32> to vector<128x128xf32>
    %add3A_33 = arith.addf %add3A, %dot_general3A_28 : vector<128x128xf32>
    %sub3A = arith.subf %add3A_33, %convert_element_type3A : vector<128x128xf32>
    %sub3A_34 = vector.broadcast %reduce_sum3A_22 : f32 to vector<128x128xf32>
    %sub3A_35 = arith.subf %sub3A_34, %sub3A : vector<128x128xf32>
    %dot_general3A_36 = arith.constant dense<0.000000e+00> : vector<128x128xf32>
    %dot_general3A_37 = tpu.matmul %convert_element_type3A_8, %convert_element_type3A_15, %dot_general3A_36 {dimension_numbers = #tpu.dot_dimension_numbers<[1], [0], [0], [1], [0, 0, 1, 1], [], []>, precision = #tpu.contract_precision<fp32>, transpose_lhs_hint = false} : vector<128x128xf32>, vector<128x128xf32>, vector<128x128xf32> -> vector<128x128xf32>
    %reduce_sum3A_38 = arith.constant dense<0.000000e+00> : vector<128xf32>
    %reduce_sum3A_39 = vector.multi_reduction <add>, %convert_element_type3A_8, %reduce_sum3A_38 [1] : vector<128x128xf32> to vector<128xf32>
    %broadcast_in_dim3A_40 = vector.shape_cast %reduce_sum3A_39 : vector<128xf32> to vector<128x1xf32>
    %dot_general3A_41 = arith.constant dense<0.000000e+00> : vector<128x1xf32>
    %dot_general3A_42 = tpu.matmul %convert_element_type3A_17, %broadcast_in_dim3A_40, %dot_general3A_41 {dimension_numbers = #tpu.dot_dimension_numbers<[1], [0], [0], [1], [0, 0, 1, 1], [], []>, precision = #tpu.contract_precision<fp32>, transpose_lhs_hint = false} : vector<128x128xf32>, vector<128x1xf32>, vector<128x1xf32> -> vector<128x1xf32>
    %add3A_43 = vector.broadcast %dot_general3A_42 : vector<128x1xf32> to vector<128x128xf32>
    %add3A_44 = arith.addf %add3A_43, %dot_general3A_37 : vector<128x128xf32>
    %sub3A_45 = arith.subf %add3A_44, %convert_element_type3A_8 : vector<128x128xf32>
    %sub3A_46 = vector.broadcast %reduce_sum3A_27 : f32 to vector<128x128xf32>
    %sub3A_47 = arith.subf %sub3A_46, %sub3A_45 : vector<128x128xf32>
    %sub3A_48 = arith.subf %sub3A_35, %convert_element_type3A : vector<128x128xf32>
    %sub3A_49 = arith.subf %sub3A_47, %convert_element_type3A_8 : vector<128x128xf32>
    %mul3A = arith.constant 128 : i32
    %mul3A_50 = vector.broadcast %mul3A : i32 to vector<128x128xi32>
    %mul3A_51 = arith.muli %iota3A, %mul3A_50 : vector<128x128xi32>
    %add3A_52 = arith.addi %mul3A_51, %iota3A_9 : vector<128x128xi32>
    %shift_left3A = arith.constant 18 : i32
    %shift_left3A_53 = vector.broadcast %shift_left3A : i32 to vector<128x128xi32>
    %shift_left3A_54 = arith.shli %add3A_52, %shift_left3A_53 : vector<128x128xi32>
    %add3A_55 = arith.constant 131072 : i32
    %add3A_56 = vector.broadcast %add3A_55 : i32 to vector<128x128xi32>
    %add3A_57 = arith.addi %shift_left3A_54, %add3A_56 : vector<128x128xi32>
    %and3A_58 = arith.constant 2147483647 : i32
    %and3A_59 = vector.broadcast %and3A_58 : i32 to vector<128x128xi32>
    %and3A_60 = arith.andi %add3A_57, %and3A_59 : vector<128x128xi32>
    %bitcast_convert_type3A = tpu.bitcast %and3A_60 : vector<128x128xi32> -> vector<128x128xf32>
    %sub3A_61 = vector.broadcast %reduce_sum3A_27 : f32 to vector<128x128xf32>
    %sub3A_62 = arith.subf %sub3A_61, %sub3A_47 : vector<128x128xf32>
    %add3A_63 = vector.broadcast %reduce_sum3A_27 : f32 to vector<128x128xf32>
    %add3A_64 = arith.addf %add3A_63, %sub3A_35 : vector<128x128xf32>
    %sub3A_65 = arith.subf %add3A_64, %sub3A_47 : vector<128x128xf32>
    %add3A_66 = arith.constant 9.99999993E-9 : f32
    %add3A_67 = vector.broadcast %add3A_66 : f32 to vector<128x128xf32>
    %add3A_68 = arith.addf %sub3A_65, %add3A_67 : vector<128x128xf32>
    %div3A = arith.divf %sub3A_62, %add3A_68 : vector<128x128xf32>
    %sub3A_69 = arith.constant 1.000000e+00 : f32
    %sub3A_70 = vector.broadcast %sub3A_69 : f32 to vector<128x128xf32>
    %sub3A_71 = arith.subf %sub3A_70, %div3A : vector<128x128xf32>
    %le3A_72 = arith.constant 0.000000e+00 : f32
    %le3A_73 = vector.broadcast %le3A_72 : f32 to vector<128x128xf32>
    %le3A_74 = arith.cmpf ole, %sub3A_35, %le3A_73 : vector<128x128xf32>
    %jit3A = arith.constant 0.000000e+00 : f32
    %broadcast_in_dim3A_75 = vector.broadcast %jit3A : f32 to vector<128x128xf32>
    %select_n3A = arith.select %le3A_74, %broadcast_in_dim3A_75, %sub3A_71 : vector<128x128xi1>, vector<128x128xf32>
    %sub3A_76 = vector.broadcast %reduce_sum3A_27 : f32 to vector<128x128xf32>
    %sub3A_77 = arith.subf %sub3A_76, %sub3A_49 : vector<128x128xf32>
    %add3A_78 = vector.broadcast %reduce_sum3A_27 : f32 to vector<128x128xf32>
    %add3A_79 = arith.addf %add3A_78, %sub3A_48 : vector<128x128xf32>
    %sub3A_80 = arith.subf %add3A_79, %sub3A_49 : vector<128x128xf32>
    %add3A_81 = arith.constant 9.99999993E-9 : f32
    %add3A_82 = vector.broadcast %add3A_81 : f32 to vector<128x128xf32>
    %add3A_83 = arith.addf %sub3A_80, %add3A_82 : vector<128x128xf32>
    %div3A_84 = arith.divf %sub3A_77, %add3A_83 : vector<128x128xf32>
    %sub3A_85 = arith.constant 1.000000e+00 : f32
    %sub3A_86 = vector.broadcast %sub3A_85 : f32 to vector<128x128xf32>
    %sub3A_87 = arith.subf %sub3A_86, %div3A_84 : vector<128x128xf32>
    %le3A_88 = arith.constant 0.000000e+00 : f32
    %le3A_89 = vector.broadcast %le3A_88 : f32 to vector<128x128xf32>
    %le3A_90 = arith.cmpf ole, %sub3A_48, %le3A_89 : vector<128x128xf32>
    %jit3A_91 = arith.constant 0.000000e+00 : f32
    %broadcast_in_dim3A_92 = vector.broadcast %jit3A_91 : f32 to vector<128x128xf32>
    %select_n3A_93 = arith.select %le3A_90, %broadcast_in_dim3A_92, %sub3A_87 : vector<128x128xi1>, vector<128x128xf32>
    %sub3A_94 = arith.subf %select_n3A, %select_n3A_93 : vector<128x128xf32>
    %mul3A_95 = arith.mulf %bitcast_convert_type3A, %sub3A_94 : vector<128x128xf32>
    %gt3A = arith.constant 0.000000e+00 : f32
    %gt3A_96 = vector.broadcast %gt3A : f32 to vector<128x128xf32>
    %gt3A_97 = arith.cmpf ogt, %convert_element_type3A, %gt3A_96 : vector<128x128xf32>
    %ge3A = arith.constant 8192 : i32
    %ge3A_98 = vector.broadcast %ge3A : i32 to vector<128x128xi32>
    %ge3A_99 = arith.cmpi sge, %add3A_52, %ge3A_98 : vector<128x128xi32>
    %and3A_100 = arith.andi %gt3A_97, %ge3A_99 : vector<128x128xi1>
    %jit3A_101 = arith.constant 0.000000e+00 : f32
    %broadcast_in_dim3A_102 = vector.broadcast %jit3A_101 : f32 to vector<128x128xf32>
    %select_n3A_103 = arith.select %and3A_100, %mul3A_95, %broadcast_in_dim3A_102 : vector<128x128xi1>, vector<128x128xf32>
    %reduce_sum3A_104 = vector.shape_cast %select_n3A_103 : vector<128x128xf32> to vector<1x128x128xf32>
    %reduce_sum3A_105 = arith.constant dense<0.000000e+00> : vector<1xf32>
    %reduce_sum3A_106 = vector.multi_reduction <add>, %reduce_sum3A_104, %reduce_sum3A_105 [1, 2] : vector<1x128x128xf32> to vector<1xf32>
    %reduce_sum3A_107 = vector.shape_cast %reduce_sum3A_106 : vector<1xf32> to vector<1x1x1xf32>
    %reduce_sum3A_108 = vector.extract %reduce_sum3A_107[0, 0, 0] : f32 from vector<1x1x1xf32>
    %reshape3A = vector.broadcast %reduce_sum3A_108 : f32 to vector<1x1xf32>
    %swap3A = arith.constant 0 : index
    %swap3A_109 = arith.constant 0 : index
    %swap3A_110 = vector.load %arg1[%swap3A, %swap3A_109] : memref<1x1xf32, #tpu.memory_space<vmem>>, vector<1x1xf32>
    tpu.vector_store %arg1[%swap3A, %swap3A_109], %reshape3A {strides = array<i32>} : memref<1x1xf32, #tpu.memory_space<vmem>>, vector<1x1xf32>,
    return
  }
}

</mosaic_0001>

<sc_bundles>
// kernel: kernel.5.cloned.1.call-start
scs
__scs_entry_jumppad:
0x0: {  	(pc) =	sbr.rel $0x88, $3  }
0x1: {  	(tag) =	ssettag $0x0;
	lr =	simm.s32 $0x1  }
0x2: {  	[smem:$0x3F9F] =	sst lr;
	_ =	strace $0xD0000000  }
0x3: {  	_ = 	snop  }
0x4: {  	_ = 	snop  }
0x5: {  	_ = 	snop  }
0x6: {  	_ = 	snop  }
0x7: {  	_ = 	snop  }
__scs_overlays_trampoline_lowered:
0x8: {  	[smem:$0x3FAE] =	sst s0  }
0x9: {  	[smem:$0x3FAF] =	sst s1  }
0xa: {  	[smem:$0x3FB0] =	sst s2  }
0xb: {  	[smem:$0x3FB1] =	sst s3  }
0xc: {  	[smem:$0x3FB2] =	sst s4  }
0xd: {  	[smem:$0x3FB3] =	sst s5  }
0xe: {  	[smem:$0x3FB4] =	sst s6  }
0xf: {  	[smem:$0x3FB5] =	sst s7  }
0x10: {  	[smem:$0x3FB6] =	sst s8  }
0x11: {  	[smem:$0x3FB7] =	sst s9;
	s0 =	simm.s32 @!p0 $0x0  }
0x12: {  	s1 =	sld [smem:$0x3F9D];
	s0 =	simm.s32 @p0 $0x1  }
0x13: {  	[smem:$0x3FB8] =	sst s0;
	s0 =	simm.s32 @!p1 $0x0  }
0x14: {  	s2 =	sld [smem:$0x3F9C];
	s0 =	simm.s32 @p1 $0x1  }
0x15: {  	[smem:$0x3FB9] =	sst s0;
	s0 =	simm.s32 @!p2 $0x0  }
0x16: {  	s3 =	sld [smem:$0x3FDB];
	s0 =	simm.s32 @p2 $0x1  }
0x17: {  	s4 =	simm.s32 $0x1BF5;
	[smem:$0x3FBB] =	sst s0  }
0x18: {  	s0 =	sld [smem:$0x3F9E];
	_ =	swait.ge [sflag:s4], $0x0  }
0x19: {  	s7 =	sld [smem:$0x3F9F]  }
0x1a: {  	s8 =	sadd.s32 $0xFFFFE003, lr  }
0x1b: {  	s9 =	sadd.s32 $0xFFFFFEF7, lr;
	s5 =	simm.s32 $0xFFFFFFFF;
	p2 =	slt.u32 s8, $0xFFFFF086  }
0x1c: {  	p1 =	slt.u32 s9, $0xF7A;
	s5 =	simm.s32 @!p2 $0x0  }
0x1d: {  	s5 =	simm.s32 @p1 $0x1;
	p0 =	seq.s32 s7, s2  }
0x1e: {  	s7 =	smul.u32 @!p0 $0xF7A, s2;
	p2 =	seq.s32 @!p0 s5, $0x0  }
0x1f: {  	s9 =	smul.u32 $0xF7A, s1;
	s8 =	simm.s32 @!p0 $0x1BF5;
	p2 =	por !p2, p0  }
0x20: {  	[sflag:s8] =	ssyncset.s32 @!p0 $0xFFFFF086;
	s6 =	sadd.s32 @!p0 s3, s7;
	s7 =	simm.s32 @!p0 $0x108  }
0x21: {  	s3 =	sadd.s32 s3, s9;
	s6 =	sadd.s32 @!p0 $0x88, s6;
	s7 =	simm.s32 @p2 $0x1082  }
0x22: {  	[simem:s7], [sflag:s8] =	dma.local @!p0 [hbm:s6], $0xF7A  }
0x23: {  	s9 =	sor.u32 $0xD0000000, s2;
	s6 =	simm.s32 $0x108;
	_ =	swait.ge @!p0 [sflag:s8], $0x0  }
0x24: {  	s3 =	sadd.s32 $0x88, s3;
	s6 =	simm.s32 @!p1 $0x1082;
	[sflag:s4] =	ssyncset.s32 $0xFFFFF086  }
0x25: {  	[simem:s6], [sflag:s4] =	dma.local [hbm:s3], $0xF7A  }
0x26: {  	[smem:$0x3F9F] =	sst s1;
	(tag) =	ssettag s2;
	_ =	strace s9  }
0x27: {  	s1 =	sld [smem:$0x3FAF]  }
0x28: {  	s2 =	sld [smem:$0x3FB0]  }
0x29: {  	s4 =	sld [smem:$0x3FB2]  }
0x2a: {  	p0 =	seq.s32 s5, $0x0;
	s5 =	sld [smem:$0x3FB3]  }
0x2b: {  	s6 =	sld [smem:$0x3FB4]  }
0x2c: {  	s7 =	sld [smem:$0x3FB5]  }
0x2d: {  	s3 =	simm.s32 $0x108;
	s8 =	sld [smem:$0x3FB6]  }
0x2e: {  	s3 =	simm.s32 @!p0 $0x1082;
	s9 =	sld [smem:$0x3FB7]  }
0x2f: {  	lr =	sadd.s32 s0, s3;
	s0 =	sld [smem:$0x3FAE]  }
0x30: {  	s3 =	sld [smem:$0x3FB1]  }
0x31: {  	[smem:$0x3FBA] =	sst s10  }
0x32: {  	s10 =	sld [smem:$0x3FB8];
	_ =	sdelay $0x3  }
0x33: {  	p0 =	seq.s32 s10, $0x1;
	s10 =	sld [smem:$0x3FBA];
	_ =	sdelay $0x3  }
0x34: {  	[smem:$0x3FBA] =	sst s10  }
0x35: {  	s10 =	sld [smem:$0x3FB9];
	_ =	sdelay $0x3  }
0x36: {  	p1 =	seq.s32 s10, $0x1;
	s10 =	sld [smem:$0x3FBA];
	_ =	sdelay $0x3  }
0x37: {  	[smem:$0x3FBA] =	sst s10  }
0x38: {  	s10 =	sld [smem:$0x3FBB]  }
0x39: {  	_ = 	snop;
	(pc) =	sbr.ind lr, $3  }
0x3a: {  	_ = 	snop  }
0x3b: {  	_ = 	snop  }
0x3c: {  	p2 =	seq.s32 s10, $0x1;
	s10 =	sld [smem:$0x3FBA]  }
0x3d: {  	_ =	shalt  }
0x3e: {  	_ =	shalt  }
0x3f: {  	_ =	shalt  }
0x40: {  	_ =	shalt  }
0x41: {  	_ =	shalt  }
0x42: {  	_ =	shalt  }
0x43: {  	_ =	shalt  }
0x44: {  	_ =	shalt  }
0x45: {  	_ =	shalt  }
0x46: {  	_ =	shalt  }
0x47: {  	_ =	shalt  }
0x48: {  	_ =	shalt  }
0x49: {  	_ =	shalt  }
0x4a: {  	_ =	shalt  }
0x4b: {  	_ =	shalt  }
0x4c: {  	_ =	shalt  }
0x4d: {  	_ =	shalt  }
0x4e: {  	_ =	shalt  }
0x4f: {  	_ =	shalt  }
0x50: {  	_ =	shalt  }
0x51: {  	_ =	shalt  }
0x52: {  	_ =	shalt  }
0x53: {  	_ =	shalt  }
0x54: {  	_ =	shalt  }
0x55: {  	_ =	shalt  }
0x56: {  	_ =	shalt  }
0x57: {  	_ =	shalt  }
0x58: {  	_ =	shalt  }
0x59: {  	_ =	shalt  }
0x5a: {  	_ =	shalt  }
0x5b: {  	_ =	shalt  }
0x5c: {  	_ =	shalt  }
0x5d: {  	_ =	shalt  }
0x5e: {  	_ =	shalt  }
0x5f: {  	_ =	shalt  }
0x60: {  	_ =	shalt  }
0x61: {  	_ =	shalt  }
0x62: {  	_ =	shalt  }
0x63: {  	_ =	shalt  }
0x64: {  	_ =	shalt  }
0x65: {  	_ =	shalt  }
0x66: {  	_ =	shalt  }
0x67: {  	_ =	shalt  }
0x68: {  	_ =	shalt  }
0x69: {  	_ =	shalt  }
0x6a: {  	_ =	shalt  }
0x6b: {  	_ =	shalt  }
0x6c: {  	_ =	shalt  }
0x6d: {  	_ =	shalt  }
0x6e: {  	_ =	shalt  }
0x6f: {  	_ =	shalt  }
0x70: {  	_ =	shalt  }
0x71: {  	_ =	shalt  }
0x72: {  	_ =	shalt  }
0x73: {  	_ =	shalt  }
0x74: {  	_ =	shalt  }
0x75: {  	_ =	shalt  }
0x76: {  	_ =	shalt  }
0x77: {  	_ =	shalt  }
0x78: {  	_ =	shalt  }
0x79: {  	_ =	shalt  }
0x7a: {  	_ =	shalt  }
0x7b: {  	_ =	shalt  }
0x7c: {  	_ =	shalt  }
0x7d: {  	_ =	shalt  }
0x7e: {  	_ =	shalt  }
0x7f: {  	_ =	shalt  }
0x80: {  	_ =	shalt  }
0x81: {  	_ =	shalt  }
0x82: {  	_ =	shalt  }
0x83: {  	_ =	shalt  }
0x84: {  	_ =	shalt  }
0x85: {  	_ =	shalt  }
0x86: {  	_ =	shalt  }
0x87: {  	_ =	shalt  }
.Lfunc_end0:
.L_simem_size_0:
called_computation_lowered:
.L_overlay_start_0:
0x88: {  	s2 =	sld [smem:$0x3FD9]  }
0x89: {  	s3 =	sld [smem:$0x3FFE];
	_ =	sdelay $0x1  }
0x8a: {  	s1 =	srdreg.scid  }
0x8b: {  	s0 =	sand.u32 $0x1, s1  }
0x8c: {  	s16 =	sshll.u32 s0, $0xA;
	s2 =	sadd.s32 s3, s2  }
0x8d: {  	s2 =	sadd.s32 s2, s16  }
0x8e: {  	[smem:$0x3FC6] =	sst s2  }
0x8f: {  	_ = 	snop  }
0x90: {  	(tm) =	ssettm $0x1  }
0x91: {  	s17 =	sld [smem:$0x3FFB];
	_ =	sdelay $0x3  }
0x92: {  	_ =	strace s17  }
0x93: {  	s2 =	sld [smem:$0x3FFC];
	_ =	sdelay $0x3  }
0x94: {  	_ =	strace s2  }
0x95: {  	s2 =	sld [smem:$0x3FFD];
	_ =	sdelay $0x3  }
0x96: {  	_ =	strace s2  }
0x97: {  	_ =	strace $0x8FFFFFFF  }
0x98: {  	s18 =	sld [smem:$0x3FDB];
	_ =	sdelay $0x1  }
0x99: {  	s19 =	simm.s32 $_scs_section_size  }
0x9a: {  	s4 =	simm.s32 $_size__tile_overlayer_lowered;
	s5 =	simm.s32 $_tile_overlayer_lowered  }
0x9b: {  	s22 =	simm.s32 $0x1BFF;
	s21 =	sshll.u32 s5, $0x1;
	s2 =	sadd.s32 s19, s18  }
0x9c: {  	s6 =	simm.s32 $0x0;
	s20 =	sshll.u32 s4, $0x1;
	s4 =	sadd.s32 s21, s2  }
0x9d: {  	[timem:s6], [sflag:s22] =	dma.local [hbm:s4], s20  }
0x9e: {  	_ =	swait.ge [sflag:s22], s20  }
0x9f: {  	s3 =	ssub.s32 $0x0, s20;
	[sflag:s22] =	ssyncset.done $0x0  }
0xa0: {  	[sflag:s22] =	ssyncadd.s32 s3;
	_ =	sdelay $0x1  }
0xa1: {  	s23 =	simm.s32 $0x1B8B  }
0xa2: {  	_ =	swait.ge [sflag:s23], $0x1  }
0xa3: {  	[sflag:s23] =	ssyncset.done $0x0  }
0xa4: {  	s25 =	simm.s32 $0x1B8E;
	s24 =	sld [smem:$0x3FFE];
	[sflag:s23] =	ssyncadd.s32 $0xFFFFFFFF  }
0xa5: {  	s26 =	simm.s32 $execute0_lowered;
	[smem:$0x3FD2] =	sst s25  }
0xa6: {  	s4 =	sshll.u32 s26, $0x1;
	_ =	strace $0x80000046;
	[dreg:$0x1] =	wrdreg $0xFFFFFFFF  }
0xa7: {  	s28 =	simm.s32 $_size_execute0_lowered;
	s2 =	sadd.s32 s2, s4;
	[dreg:$0x0] =	wrdreg $0x0  }
0xa8: {  	s4 =	sshll.u32 s28, $0x1;
	[dreg:$0x2] =	wrdreg s2  }
0xa9: {  	[dreg:$0x3] =	wrdreg s4  }
0xaa: {  	[dreg:$0x4] =	wrdreg $0xC0  }
0xab: {  	_ =	task [dreg:s6], $0x5FFFF  }
0xac: {  	[dreg:$0x1] =	wrdreg $0xFFFFFFFF  }
0xad: {  	[dreg:$0x0] =	wrdreg $0x60  }
0xae: {  	[dreg:$0x2] =	wrdreg s24  }
0xaf: {  	[dreg:$0x3] =	wrdreg $0x9  }
0xb0: {  	_ =	task.clear_ibuf [dreg:s6], $0x4FFFF;
	_ =	strace $0x90000046  }
0xb1: {  	s29 =	simm.s32 $0x9;
	_ =	strace $0x80000048  }
0xb2: {  	_ =	swait.ge [sflag:s29], $0x1  }
0xb3: {  	[sflag:s29] =	ssyncadd.s32 $0xFFFFFFFF  }
0xb4: {  	_ =	strace $0x90000048  }
0xb5: {  	_ =	sfence  }
0xb6: {  	s30 =	sld [smem:$0x0];
	_ =	sdelay $0x2  }
0xb7: {  	s31 =	sshll.u32 s1, $0xD;
	s1 =	sshrl.u32 s1, $0x2  }
0xb8: {  	s3 =	sand.u32 $0x4000, s31;
	s1 =	sadd.s32 s1, s30  }
0xb9: {  	s0 =	sor.u32 s3, s0;
	s1 =	sshll.u32 s1, $0x11  }
0xba: {  	s0 =	sor.u32 s1, s0  }
0xbb: {  	s0 =	sadd.s32 $0x8F2B, s0  }
0xbc: {  	[sflag:s0] =	ssyncadd.remote.s32 $0x1  }
0xbd: {  	_ =	sfence.sel $0xFFFF  }
0xbe: {  	[dreg:$0x0] =	wrdreg $0xFFFFFFFF;
	(pc) =	sbr.abs _section_cstart, $3  }
0xbf: {  	[dreg:$0x1] =	wrdreg $0xFFFFFFFF  }
0xc0: {  	_ =	task.clear_ibuf [dreg:s6], $0x2FFFF;
	_ =	strace $0x9FFFFFFF  }
0xc1: {  	(tm) =	ssettm $0x7FFFFFFF  }
tec
execute0_lowered:
.L_overlay_start_1:
0x0: {  	(tag) =	ssettag $0x1  }
0x1: {  	s1 =	srdreg.scid  }
0x2: {  	s0 =	stileid.u32;
	s3 =	rddreg [dreg:$0x0];
	s2 =	simm.s32 $0x0  }
0x3: {  	s9 =	simm.s32 $0x400;
	s4 =	sand.u32 $0x1, s1;
	s1 =	rddreg [dreg:$0x1]  }
0x4: {  	s5 =	sshll.u32 s0, $0x1;
	[smem:$0x7FF] =	sst s2;
	s7 =	sshll.u32 s0, $0xC  }
0x5: {  	s5 =	sor.u32 s4, s5;
	_ =	strace $0x80000047;
	s7 =	sand.u32 $0xC000, s7  }
0x6: {  	s4 =	ssub.s32 $0x2, s4;
	s6 =	sshll.u32 s5, $0xC;
	s5 =	sshll.u32 s5, $0x4  }
0x7: {  	s7 =	sadd.s32 s7, s3;
	s30 =	sshrl.u32 s4, $0x1;
	s6 =	sadd.s32 s6, s3  }
0x8: {  	s5 =	sand.u32 $0x70, s5;
	s8 =	ssub.s32 s4, s30;
	s3 =	sadd.s32 $0xA00, s6  }
0x9: {  	s31 =	sadd.s32 s5, s7;
	s5 =	smax.u32 s8, $0x1;
	s6 =	simm.s32 $0x1  }
0xa: {  	v0 =	vimm.s32 $0x0;
	s7 =	simm.s32 $0x1000;
	s8 =	simm.s32 $0x80;
	s4 =	sadd.s32 $0x20A00, s31  }
.LBB2_1:
0xb: {  	s10 =	simm.s32 $0x40;
	s11 =	simm.s32 $0x0  }
.LBB2_2:
0xc: {  	p0 =	sne.s32 s10, $0xFFC0;
	[tilespmem:s11+$0x1000] =	vst v0;
	s11 =	smov.u32 s10;
	s10 =	sadd.s32 $0x40, s10  }
.Ltmp0:
0xd: {  	(pc) =	sbr.rel @p0 .LBB2_2-.Ltmp0, $2  }
0xe: {  	_ =	sdelay $0x2  }
0xf: {  	s11 =	sshra.s32 s11, $0x2  }
0x10: {  	[tilespmem:s11+$0x1000] =	vst v0;
	s10 =	simm.s32 $0x0;
	s11 =	simm.s32 $0x0  }
.LBB2_4:
0x11: {  	s12 =	sshll.u32 s11, $0x9  }
0x12: {  	s12 =	sadd.s32 s12, s3  }
0x13: {  	[tilespmem:s10], [sflag:$0x1] =	stream.linear.gather [hbm4b:s12+s10], $0x1000, $0x38;
	[tilespmem:$0x5000] =	vst v63  }
0x14: {  	_ =	swait.ge [sflag:s6], $0x1000  }
0x15: {  	p0 =	por $0x0, $0x0;
	[sflag:s6] =	ssyncset.done $0x0  }
0x16: {  	s13 =	simm.s32 $0x0;
	s12 =	simm.s32 $0x0;
	[sflag:s6] =	ssyncadd.s32 $0xFFFFF000  }
.LBB2_5:
0x17: {  	s14 =	sshrl.u32 s12, $0x1  }
0x18: {  	s14 =	sand.u32 $0xF80, s14  }
0x19: {  	v1 =	vld [tilespmem:s14+$0x0];
	_ =	sdelay $0x4  }
0x1a: {  	v2 =	vshrl.u32 v1, $0x10;
	v3 =	vand.u32 $0x3FFF, v1  }
0x1b: {  	v2 =	vand.u32 $0x3FFF, v2  }
0x1c: {  	v4 =	vshrl.u32 v1, $0xE  }
0x1d: {  	v4 =	vand.u32 $0x3, v4  }
0x1e: {  	v1 =	vshrl.u32 v1, $0x1E;
	v4 =	vor.u32 $0x10000, v4  }
0x1f: {  	v1 =	vor.u32 $0x10000, v1;
	[tilespmem:v3+s7+$0x0] =	vst.idx.add.s32.msk $0xffff, v4  }
0x20: {  	[tilespmem:v2+s7+$0x0] =	vst.idx.add.s32.msk $0xffff, v1  }
0x21: {  	v1 =	vld [tilespmem:s14+$0x20];
	_ =	sdelay $0x4  }
0x22: {  	v2 =	vshrl.u32 v1, $0x10;
	v3 =	vand.u32 $0x3FFF, v1  }
0x23: {  	v2 =	vand.u32 $0x3FFF, v2  }
0x24: {  	s14 =	simm.s32 $0x1;
	v61 =	vshrl.u32 v1, $0xE  }
0x25: {  	s14 =	simm.s32 @!p0 $0x0;
	v4 =	vand.u32 $0x3, v61  }
0x26: {  	s14 =	sadd.s32 s14, s12;
	v1 =	vshrl.u32 v1, $0x1E;
	v4 =	vor.u32 $0x10000, v4  }
0x27: {  	s15 =	sor.u32 $0x80, s14;
	v1 =	vor.u32 $0x10000, v1;
	[tilespmem:v3+s7+$0x0] =	vst.idx.add.s32.msk $0xffff, v4  }
0x28: {  	s15 =	sshra.s32 s15, $0x1;
	[tilespmem:v2+s7+$0x0] =	vst.idx.add.s32.msk $0xffff, v1  }
0x29: {  	v1 =	vld [tilespmem:s15+$0x0];
	_ =	sdelay $0x4  }
0x2a: {  	v2 =	vshrl.u32 v1, $0x10;
	v3 =	vand.u32 $0x3FFF, v1  }
0x2b: {  	v2 =	vand.u32 $0x3FFF, v2  }
0x2c: {  	v62 =	vshrl.u32 v1, $0xE  }
0x2d: {  	v4 =	vand.u32 $0x3, v62  }
0x2e: {  	v1 =	vshrl.u32 v1, $0x1E;
	v4 =	vor.u32 $0x10000, v4  }
0x2f: {  	s14 =	sor.u32 $0xC0, s14;
	v1 =	vor.u32 $0x10000, v1;
	[tilespmem:v3+s7+$0x0] =	vst.idx.add.s32.msk $0xffff, v4  }
0x30: {  	s14 =	sshra.s32 s14, $0x1;
	[tilespmem:v2+s7+$0x0] =	vst.idx.add.s32.msk $0xffff, v1  }
0x31: {  	v1 =	vld [tilespmem:s14+$0x0];
	_ =	sdelay $0x4  }
0x32: {  	v2 =	vshrl.u32 v1, $0x10;
	v3 =	vand.u32 $0x3FFF, v1  }
0x33: {  	p1 =	sne.s32 s13, $0x3F;
	v2 =	vand.u32 $0x3FFF, v2  }
.Ltmp1:
0x34: {  	v63 =	vshrl.u32 v1, $0xE;
	(pc) =	sbr.rel @p1 .LBB2_5-.Ltmp1, $4  }
0x35: {  	v4 =	vand.u32 $0x3, v63  }
0x36: {  	v1 =	vshrl.u32 v1, $0x1E;
	v4 =	vor.u32 $0x10000, v4  }
0x37: {  	v1 =	vor.u32 $0x10000, v1;
	[tilespmem:v3+s7+$0x0] =	vst.idx.add.s32.msk $0xffff, v4  }
0x38: {  	s13 =	sadd.s32 $0x1, s13;
	p0 =	por !p0, !p0;
	s12 =	sadd.s32 $0x80, s12;
	[tilespmem:v2+s7+$0x0] =	vst.idx.add.s32.msk $0xffff, v1  }
0x39: {  	s11 =	sadd.s32 $0x1, s11  }
0x3a: {  	p0 =	sne.s32 s11, $0x8  }
.Ltmp2:
0x3b: {  	_ = 	snop;
	(pc) =	sbr.rel @p0 .LBB2_4-.Ltmp2, $1  }
0x3c: {  	_ =	sdelay $0x3  }
0x3d: {  	s2 =	sadd.s32 $0x1, s2  }
0x3e: {  	p0 =	sne.s32 s2, s5  }
.Ltmp3:
0x3f: {  	_ = 	snop;
	(pc) =	sbr.rel @p0 .LBB2_1-.Ltmp3, $4  }
0x40: {  	[hbm4b:s4+s8] =	stream.strided.scatter [tilespmem:s7], [sflag:$0x1], $0x4000, s9, s8, $0x38;
	[tilespmem:$0x5000] =	vst v63  }
0x41: {  	_ =	swait.ge [sflag:s6], $0x4000  }
0x42: {  	[sflag:s6] =	ssyncset.done $0x0  }
0x43: {  	[sflag:s6] =	ssyncadd.s32 $0xFFFFC000  }
0x44: {  	_ =	sfence.sel $0x180000  }
0x45: {  	[bflag:$0x0] =	sbarrier.arrive $0xFFFF  }
0x46: {  	p0 =	sne.s32 s0, $0x0;
	_ =	strace $0x90000047  }
0x47: {  	s0 =	sadd.s32 @!p0 $0x100000, s1;
	[bflag:$0x2] =	sbarrier.arrive $0xFFFF  }
0x48: {  	[sflag:s0] =	ssyncadd.tile.s32 @!p0 $0x1;
	_ =	shalt  }
.Lfunc_end2:
_tile_overlayer_lowered:
.L_overlay_start_2:
0x49: {  	(tag) =	ssettag $0x2  }
0x4a: {  	s0 =	rddreg [dreg:$0x0];
	s2 =	stileid.u32  }
0x4b: {  	s1 =	rddreg [dreg:$0x1];
	p0 =	sne.s32 s2, $0x0  }
0x4c: {  	s3 =	rddreg [dreg:$0x2];
	[bflag:$0x3] =	sbarrier.arrive $0xFFFF;
	s2 =	simm.s32 @!p0 $0x1C01  }
0x4d: {  	[timem:s3], [sflag:s2] =	dma.local @!p0 [hbm:s0], s1  }
0x4e: {  	s0 =	simm.s32 @!p0 $0x1  }
0x4f: {  	_ =	swait.ge @!p0 [sflag:s0], s1  }
0x50: {  	s1 =	ssub.s32 @!p0 $0x0, s1;
	[sflag:s0] =	ssyncset.done @!p0 $0x0  }
0x51: {  	[sflag:s0] =	ssyncadd.s32 @!p0 s1  }
0x52: {  	[bflag:$0x3] =	sbarrier.arrive $0xFFFF  }
0x53: {  	_ =	shalt  }

</sc_bundles>
